<compile_context>
chip_gen: v7x
topology: tpu7x:2x2x1
jax: 0.10.2.dev20260603
libtpu: 0.0.44.dev20260713+nightly
codegen_flags: <defaults>
</compile_context>

<pallas_src>
import functools

import jax
import jax.numpy as jnp
from jax import lax
from jax.experimental import pallas as pl
from jax.experimental.pallas import tpu as pltpu
from jax.experimental.pallas import tpu_sc as plsc

_N = 1024
_L = 20
_NW = 32
_PAIRS = _L * 27
_PPW = 17
_WIN = 6


def _sc_body(item_hbm, hist_hbm, ctx_hbm, out_hbm,
             item_s, hist_s, ctx_s, sem_in, sem_out):
    cid = lax.axis_index("c")
    sid = lax.axis_index("s")
    wid = cid * 16 + sid

    @pl.when(sid < 15)
    def _():
        r0 = sid * 64
        pltpu.async_copy(hist_hbm.at[pl.ds(r0, 64)],
                         hist_s.at[pl.ds(r0, 64)], sem_in)
        pltpu.make_async_copy(hist_hbm.at[pl.ds(r0, 64)],
                              hist_s.at[pl.ds(r0, 64)], sem_in).wait()

    @pl.when(sid == 15)
    def _():
        pltpu.async_copy(item_hbm, item_s, sem_in)
        pltpu.async_copy(ctx_hbm, ctx_s, sem_in)
        pltpu.make_async_copy(item_hbm, item_s, sem_in).wait()
        pltpu.make_async_copy(ctx_hbm, ctx_s, sem_in).wait()

    plsc.subcore_barrier()

    start = wid * _PPW - lax.max(wid - 28, 0)
    count = jnp.where(wid < 28, _PPW, _PPW - 1)

    def copies(p):
        l = p // 27
        g = p % 27
        i = g // 9
        j = (g % 9) // 3
        k = g % 3
        r0 = l * 1296 + g * 48
        return (
            pltpu.make_async_copy(item_s.at[pl.ds(i * 16, 16)],
                                  out_hbm.at[pl.ds(r0, 16)], sem_out),
            pltpu.make_async_copy(ctx_s.at[pl.ds(k * 16, 16)],
                                  out_hbm.at[pl.ds(r0 + 16, 16)], sem_out),
            pltpu.make_async_copy(hist_s.at[pl.ds(l * 48 + j * 16, 16)],
                                  out_hbm.at[pl.ds(r0 + 32, 16)], sem_out),
        )

    def drain_one():
        d = pltpu.make_async_copy(item_s.at[pl.ds(0, 16)],
                                  out_hbm.at[pl.ds(0, 16)], sem_out)
        d.wait()
        d.wait()
        d.wait()

    def body(it, carry):
        @pl.when(it < count)
        def _():
            a, b, c = copies(start + it)
            a.start()
            b.start()
            c.start()

        @pl.when((it >= _WIN) & (it - _WIN < count))
        def _():
            drain_one()

        return carry

    lax.fori_loop(0, _PPW, body, 0)

    rem = count - (_PPW - _WIN)

    def tail(it, carry):
        @pl.when(it < rem)
        def _():
            drain_one()

        return carry

    lax.fori_loop(0, _WIN, tail, 0)


def kernel(x_item, hist, x_context):
    mesh = plsc.VectorSubcoreMesh(core_axis_name="c", subcore_axis_name="s")
    run = functools.partial(
        pl.kernel,
        _sc_body,
        mesh=mesh,
        out_type=jax.ShapeDtypeStruct((_PAIRS * 48, _N), jnp.float32),
        scratch_types=[
            pltpu.VMEM_SHARED((48, _N), jnp.float32),
            pltpu.VMEM_SHARED((960, _N), jnp.float32),
            pltpu.VMEM_SHARED((48, _N), jnp.float32),
            pltpu.SemaphoreType.DMA,
            pltpu.SemaphoreType.DMA,
        ],
    )()
    flat = run(x_item.reshape(_N, 48).T, hist.reshape(_N, 960).T,
               x_context.reshape(_N, 48).T)
    return jnp.swapaxes(flat, 0, 1).reshape(_N, _L, 27, 48)

# --- scband reference (transcript-rebuilt; emitter-appended) ---
"""Pipeline reference for scband-ihccross-layer-18468359372834 (READ-ONLY COPY).

The authoritative reference and input builder live on the scoring server;
editing this copy changes nothing except your own understanding.
"""

import jax, jax.numpy as jnp
import numpy as np


def setup_inputs(seed: int = 0) -> dict:
    key = jax.random.key(seed)
    k1, k2, k3 = jax.random.split(key, 3)
    x_item = jax.random.normal(k1, (1024, 3, 16), dtype=jnp.float32)
    hist = jax.random.normal(k2, (1024, 20, 3, 16), dtype=jnp.float32)
    x_context = jax.random.normal(k3, (1024, 3, 16), dtype=jnp.float32)
    return {"x_item": x_item, "hist": hist, "x_context": x_context}


def reference(x_item, hist, x_context):
    item_fnum, hist_fnum, context_fnum = x_item.shape[1], hist.shape[2], x_context.shape[1]
    item_idx, hist_idx, context_idx = [], [], []
    for i in range(item_fnum):
        for j in range(hist_fnum):
            for k in range(context_fnum):
                item_idx.append(i)
                hist_idx.append(j)
                context_idx.append(k)
    item_idx = jnp.array(item_idx, dtype=jnp.int32)
    hist_idx = jnp.array(hist_idx, dtype=jnp.int32)
    context_idx = jnp.array(context_idx, dtype=jnp.int32)
    L = hist.shape[1]
    x_item_tile = jnp.tile(x_item[:, None, :, :], (1, L, 1, 1))
    x_context_tile = jnp.tile(x_context[:, None, :, :], (1, L, 1, 1))
    ihc_cross = jnp.concatenate(
        (
            jnp.take(x_item_tile, item_idx, axis=2),
            jnp.take(x_context_tile, context_idx, axis=2),
            jnp.take(hist, hist_idx, axis=2),
        ),
        axis=3,
    )
    return ihc_cross

if __name__ == "__main__":
    import jax
    _d = setup_inputs()
    print(jax.jit(kernel)(*tuple(_d.values())))

</pallas_src>

<mosaic_0001>
#map = affine_map<(d0, d1) -> (0, 0)>
module attributes {stable_mosaic.version = 14 : i64} {
  func.func @_sc_body(%arg0: i32, %arg1: i32, %arg2: memref<48x1024xf32, #tpu.memory_space<hbm>>, %arg3: memref<960x1024xf32, #tpu.memory_space<hbm>>, %arg4: memref<48x1024xf32, #tpu.memory_space<hbm>>, %arg5: memref<25920x1024xf32, #tpu.memory_space<hbm>>, %arg6: memref<48x1024xf32, #tpu.memory_space<vmem_shared>>, %arg7: memref<960x1024xf32, #tpu.memory_space<vmem_shared>>, %arg8: memref<48x1024xf32, #tpu.memory_space<vmem_shared>>, %arg9: memref<!tpu.dma_semaphore, #tpu.memory_space<semaphore_mem>>, %arg10: memref<!tpu.dma_semaphore, #tpu.memory_space<semaphore_mem>>) attributes {dimension_semantics = [#tpu.dimension_semantics<core_parallel>, #tpu.dimension_semantics<subcore_parallel>], iteration_bounds = array<i64: 2, 16>, scalar_prefetch = 0 : i64, scratch_operands = 5 : i64, tpu.core_type = #tpu.core_type<sc_vector_subcore>, window_params = [{transform_indices = #map}, {transform_indices = #map}, {transform_indices = #map}, {transform_indices = #map}]} {
    %mul3A = arith.constant 16 : i32
    %mul3A_0 = arith.muli %arg0, %mul3A : i32
    %add3A = arith.addi %mul3A_0, %arg1 : i32
    %lt3A = arith.constant 15 : i32
    %lt3A_1 = arith.cmpi slt, %arg1, %lt3A : i32
    %convert_element_type3A = arith.extui %lt3A_1 : i1 to i32
    %cond3A = arith.constant 0 : i32
    %cond3A_2 = arith.cmpi ne, %convert_element_type3A, %cond3A : i32
    scf.if %cond3A_2 {
      %mul3A_28 = arith.constant 64 : i32
      %mul3A_29 = arith.muli %arg1, %mul3A_28 : i32
      %dma_start3A = arith.constant 0 : i32
      %dma_start3A_30 = tpu.memref_slice %arg7[%mul3A_29, %dma_start3A] : memref<960x1024xf32, #tpu.memory_space<vmem_shared>> -> memref<64x1024xf32, #tpu.memory_space<vmem_shared>>
      %dma_start3A_31 = arith.constant 0 : i32
      %dma_start3A_32 = tpu.memref_slice %arg3[%mul3A_29, %dma_start3A_31] : memref<960x1024xf32, #tpu.memory_space<hbm>> -> memref<64x1024xf32, #tpu.memory_space<hbm>>
      tpu.enqueue_dma source(%dma_start3A_32 : memref<64x1024xf32, #tpu.memory_space<hbm>>) target(%dma_start3A_30 : memref<64x1024xf32, #tpu.memory_space<vmem_shared>>) target_semaphore(%arg9 : memref<!tpu.dma_semaphore, #tpu.memory_space<semaphore_mem>>)
      %dma_wait3A = arith.constant 0 : i32
      %dma_wait3A_33 = tpu.memref_slice %arg7[%mul3A_29, %dma_wait3A] : memref<960x1024xf32, #tpu.memory_space<vmem_shared>> -> memref<64x1024xf32, #tpu.memory_space<vmem_shared>>
      %dma_wait3A_34 = arith.constant 0 : i32
      %dma_wait3A_35 = tpu.memref_slice %arg3[%mul3A_29, %dma_wait3A_34] : memref<960x1024xf32, #tpu.memory_space<hbm>> -> memref<64x1024xf32, #tpu.memory_space<hbm>>
      tpu.wait_dma2 semaphore(%arg9 : memref<!tpu.dma_semaphore, #tpu.memory_space<semaphore_mem>>) src(%dma_wait3A_35 : memref<64x1024xf32, #tpu.memory_space<hbm>>) dst(%dma_wait3A_33 : memref<64x1024xf32, #tpu.memory_space<vmem_shared>>)
    } else {
    }
    %eq3A = arith.constant 15 : i32
    %eq3A_3 = arith.cmpi eq, %arg1, %eq3A : i32
    %convert_element_type3A_4 = arith.extui %eq3A_3 : i1 to i32
    %cond3A_5 = arith.constant 0 : i32
    %cond3A_6 = arith.cmpi ne, %convert_element_type3A_4, %cond3A_5 : i32
    scf.if %cond3A_6 {
      tpu.enqueue_dma source(%arg2 : memref<48x1024xf32, #tpu.memory_space<hbm>>) target(%arg6 : memref<48x1024xf32, #tpu.memory_space<vmem_shared>>) target_semaphore(%arg9 : memref<!tpu.dma_semaphore, #tpu.memory_space<semaphore_mem>>)
      tpu.enqueue_dma source(%arg4 : memref<48x1024xf32, #tpu.memory_space<hbm>>) target(%arg8 : memref<48x1024xf32, #tpu.memory_space<vmem_shared>>) target_semaphore(%arg9 : memref<!tpu.dma_semaphore, #tpu.memory_space<semaphore_mem>>)
      tpu.wait_dma2 semaphore(%arg9 : memref<!tpu.dma_semaphore, #tpu.memory_space<semaphore_mem>>) src(%arg2 : memref<48x1024xf32, #tpu.memory_space<hbm>>) dst(%arg6 : memref<48x1024xf32, #tpu.memory_space<vmem_shared>>)
      tpu.wait_dma2 semaphore(%arg9 : memref<!tpu.dma_semaphore, #tpu.memory_space<semaphore_mem>>) src(%arg4 : memref<48x1024xf32, #tpu.memory_space<hbm>>) dst(%arg8 : memref<48x1024xf32, #tpu.memory_space<vmem_shared>>)
    } else {
    }
    %barrier3A = arith.constant 0 : index
    tpu.barrier barrier_id(%barrier3A)
    %mul3A_7 = arith.constant 17 : i32
    %mul3A_8 = arith.muli %add3A, %mul3A_7 : i32
    %sub3A = arith.constant 28 : i32
    %sub3A_9 = arith.subi %add3A, %sub3A : i32
    %max3A = arith.constant 0 : i32
    %max3A_10 = arith.maxsi %sub3A_9, %max3A : i32
    %sub3A_11 = arith.subi %mul3A_8, %max3A_10 : i32
    %lt3A_12 = arith.constant 28 : i32
    %lt3A_13 = arith.cmpi slt, %add3A, %lt3A_12 : i32
    %jit3A = arith.constant 17 : i32
    %jit3A_14 = arith.constant 16 : i32
    %select_n3A = arith.select %lt3A_13, %jit3A, %jit3A_14 : i32
    %scan3A = arith.constant 0 : i32
    %scan3A_15 = arith.constant 0 : i32
    %scan3A_16 = arith.constant 17 : i32
    %scan3A_17 = arith.addi %scan3A_15, %scan3A_16 : i32
    %scan3A_18 = arith.constant 1 : i32
    scf.for %scan3A_28 = %scan3A_15 to %scan3A_17 step %scan3A_18  : i32 {
      %lt3A_29 = arith.cmpi slt, %scan3A_28, %select_n3A : i32
      %convert_element_type3A_30 = arith.extui %lt3A_29 : i1 to i32
      %cond3A_31 = arith.constant 0 : i32
      %cond3A_32 = arith.cmpi ne, %convert_element_type3A_30, %cond3A_31 : i32
      scf.if %cond3A_32 {
        %add3A_40 = arith.addi %sub3A_11, %scan3A_28 : i32
        %jit3A_41 = arith.constant 27 : i32
        %div3A = arith.divsi %add3A_40, %jit3A_41 : i32
        %sign3A = arith.constant 0 : i32
        %sign3A_42 = arith.cmpi sgt, %add3A_40, %sign3A : i32
        %sign3A_43 = arith.extui %sign3A_42 : i1 to i32
        %sign3A_44 = arith.constant 0 : i32
        %sign3A_45 = arith.cmpi slt, %add3A_40, %sign3A_44 : i32
        %sign3A_46 = arith.extui %sign3A_45 : i1 to i32
        %sign3A_47 = arith.subi %sign3A_43, %sign3A_46 : i32
        %sign3A_48 = arith.constant 0 : i32
        %sign3A_49 = arith.cmpi sgt, %jit3A_41, %sign3A_48 : i32
        %sign3A_50 = arith.extui %sign3A_49 : i1 to i32
        %sign3A_51 = arith.constant 0 : i32
        %sign3A_52 = arith.cmpi slt, %jit3A_41, %sign3A_51 : i32
        %sign3A_53 = arith.extui %sign3A_52 : i1 to i32
        %sign3A_54 = arith.subi %sign3A_50, %sign3A_53 : i32
        %ne3A = arith.cmpi ne, %sign3A_47, %sign3A_54 : i32
        %rem3A = arith.remsi %add3A_40, %jit3A_41 : i32
        %ne3A_55 = arith.constant 0 : i32
        %ne3A_56 = arith.cmpi ne, %rem3A, %ne3A_55 : i32
        %and3A_57 = arith.andi %ne3A, %ne3A_56 : i1
        %sub3A_58 = arith.constant 1 : i32
        %sub3A_59 = arith.subi %div3A, %sub3A_58 : i32
        %select_n3A_60 = arith.select %and3A_57, %sub3A_59, %div3A : i32
        %jit3A_61 = arith.constant 27 : i32
        %eq3A_62 = arith.constant 0 : i32
        %eq3A_63 = arith.cmpi eq, %jit3A_61, %eq3A_62 : i32
        %jit3A_64 = arith.constant 1 : i32
        %select_n3A_65 = arith.select %eq3A_63, %jit3A_64, %jit3A_61 : i32
        %rem3A_66 = arith.remsi %add3A_40, %select_n3A_65 : i32
        %ne3A_67 = arith.constant 0 : i32
        %ne3A_68 = arith.cmpi ne, %rem3A_66, %ne3A_67 : i32
        %lt3A_69 = arith.constant 0 : i32
        %lt3A_70 = arith.cmpi slt, %rem3A_66, %lt3A_69 : i32
        %lt3A_71 = arith.constant 0 : i32
        %lt3A_72 = arith.cmpi slt, %select_n3A_65, %lt3A_71 : i32
        %ne3A_73 = arith.xori %lt3A_70, %lt3A_72 : i1
        %and3A_74 = arith.andi %ne3A_73, %ne3A_68 : i1
        %add3A_75 = arith.addi %rem3A_66, %select_n3A_65 : i32
        %select_n3A_76 = arith.select %and3A_74, %add3A_75, %rem3A_66 : i32
        %jit3A_77 = arith.constant 9 : i32
        %div3A_78 = arith.divsi %select_n3A_76, %jit3A_77 : i32
        %sign3A_79 = arith.constant 0 : i32
        %sign3A_80 = arith.cmpi sgt, %select_n3A_76, %sign3A_79 : i32
        %sign3A_81 = arith.extui %sign3A_80 : i1 to i32
        %sign3A_82 = arith.constant 0 : i32
        %sign3A_83 = arith.cmpi slt, %select_n3A_76, %sign3A_82 : i32
        %sign3A_84 = arith.extui %sign3A_83 : i1 to i32
        %sign3A_85 = arith.subi %sign3A_81, %sign3A_84 : i32
        %sign3A_86 = arith.constant 0 : i32
        %sign3A_87 = arith.cmpi sgt, %jit3A_77, %sign3A_86 : i32
        %sign3A_88 = arith.extui %sign3A_87 : i1 to i32
        %sign3A_89 = arith.constant 0 : i32
        %sign3A_90 = arith.cmpi slt, %jit3A_77, %sign3A_89 : i32
        %sign3A_91 = arith.extui %sign3A_90 : i1 to i32
        %sign3A_92 = arith.subi %sign3A_88, %sign3A_91 : i32
        %ne3A_93 = arith.cmpi ne, %sign3A_85, %sign3A_92 : i32
        %rem3A_94 = arith.remsi %select_n3A_76, %jit3A_77 : i32
        %ne3A_95 = arith.constant 0 : i32
        %ne3A_96 = arith.cmpi ne, %rem3A_94, %ne3A_95 : i32
        %and3A_97 = arith.andi %ne3A_93, %ne3A_96 : i1
        %sub3A_98 = arith.constant 1 : i32
        %sub3A_99 = arith.subi %div3A_78, %sub3A_98 : i32
        %select_n3A_100 = arith.select %and3A_97, %sub3A_99, %div3A_78 : i32
        %jit3A_101 = arith.constant 9 : i32
        %eq3A_102 = arith.constant 0 : i32
        %eq3A_103 = arith.cmpi eq, %jit3A_101, %eq3A_102 : i32
        %jit3A_104 = arith.constant 1 : i32
        %select_n3A_105 = arith.select %eq3A_103, %jit3A_104, %jit3A_101 : i32
        %rem3A_106 = arith.remsi %select_n3A_76, %select_n3A_105 : i32
        %ne3A_107 = arith.constant 0 : i32
        %ne3A_108 = arith.cmpi ne, %rem3A_106, %ne3A_107 : i32
        %lt3A_109 = arith.constant 0 : i32
        %lt3A_110 = arith.cmpi slt, %rem3A_106, %lt3A_109 : i32
        %lt3A_111 = arith.constant 0 : i32
        %lt3A_112 = arith.cmpi slt, %select_n3A_105, %lt3A_111 : i32
        %ne3A_113 = arith.xori %lt3A_110, %lt3A_112 : i1
        %and3A_114 = arith.andi %ne3A_113, %ne3A_108 : i1
        %add3A_115 = arith.addi %rem3A_106, %select_n3A_105 : i32
        %select_n3A_116 = arith.select %and3A_114, %add3A_115, %rem3A_106 : i32
        %jit3A_117 = arith.constant 3 : i32
        %div3A_118 = arith.divsi %select_n3A_116, %jit3A_117 : i32
        %sign3A_119 = arith.constant 0 : i32
        %sign3A_120 = arith.cmpi sgt, %select_n3A_116, %sign3A_119 : i32
        %sign3A_121 = arith.extui %sign3A_120 : i1 to i32
        %sign3A_122 = arith.constant 0 : i32
        %sign3A_123 = arith.cmpi slt, %select_n3A_116, %sign3A_122 : i32
        %sign3A_124 = arith.extui %sign3A_123 : i1 to i32
        %sign3A_125 = arith.subi %sign3A_121, %sign3A_124 : i32
        %sign3A_126 = arith.constant 0 : i32
        %sign3A_127 = arith.cmpi sgt, %jit3A_117, %sign3A_126 : i32
        %sign3A_128 = arith.extui %sign3A_127 : i1 to i32
        %sign3A_129 = arith.constant 0 : i32
        %sign3A_130 = arith.cmpi slt, %jit3A_117, %sign3A_129 : i32
        %sign3A_131 = arith.extui %sign3A_130 : i1 to i32
        %sign3A_132 = arith.subi %sign3A_128, %sign3A_131 : i32
        %ne3A_133 = arith.cmpi ne, %sign3A_125, %sign3A_132 : i32
        %rem3A_134 = arith.remsi %select_n3A_116, %jit3A_117 : i32
        %ne3A_135 = arith.constant 0 : i32
        %ne3A_136 = arith.cmpi ne, %rem3A_134, %ne3A_135 : i32
        %and3A_137 = arith.andi %ne3A_133, %ne3A_136 : i1
        %sub3A_138 = arith.constant 1 : i32
        %sub3A_139 = arith.subi %div3A_118, %sub3A_138 : i32
        %select_n3A_140 = arith.select %and3A_137, %sub3A_139, %div3A_118 : i32
        %jit3A_141 = arith.constant 3 : i32
        %eq3A_142 = arith.constant 0 : i32
        %eq3A_143 = arith.cmpi eq, %jit3A_141, %eq3A_142 : i32
        %jit3A_144 = arith.constant 1 : i32
        %select_n3A_145 = arith.select %eq3A_143, %jit3A_144, %jit3A_141 : i32
        %rem3A_146 = arith.remsi %select_n3A_76, %select_n3A_145 : i32
        %ne3A_147 = arith.constant 0 : i32
        %ne3A_148 = arith.cmpi ne, %rem3A_146, %ne3A_147 : i32
        %lt3A_149 = arith.constant 0 : i32
        %lt3A_150 = arith.cmpi slt, %rem3A_146, %lt3A_149 : i32
        %lt3A_151 = arith.constant 0 : i32
        %lt3A_152 = arith.cmpi slt, %select_n3A_145, %lt3A_151 : i32
        %ne3A_153 = arith.xori %lt3A_150, %lt3A_152 : i1
        %and3A_154 = arith.andi %ne3A_153, %ne3A_148 : i1
        %add3A_155 = arith.addi %rem3A_146, %select_n3A_145 : i32
        %select_n3A_156 = arith.select %and3A_154, %add3A_155, %rem3A_146 : i32
        %mul3A_157 = arith.constant 1296 : i32
        %mul3A_158 = arith.muli %select_n3A_60, %mul3A_157 : i32
        %mul3A_159 = arith.constant 48 : i32
        %mul3A_160 = arith.muli %select_n3A_76, %mul3A_159 : i32
        %add3A_161 = arith.addi %mul3A_158, %mul3A_160 : i32
        %mul3A_162 = arith.constant 16 : i32
        %mul3A_163 = arith.muli %select_n3A_100, %mul3A_162 : i32
        %mul3A_164 = arith.constant 16 : i32
        %mul3A_165 = arith.muli %select_n3A_156, %mul3A_164 : i32
        %add3A_166 = arith.constant 16 : i32
        %add3A_167 = arith.addi %add3A_161, %add3A_166 : i32
        %mul3A_168 = arith.constant 48 : i32
        %mul3A_169 = arith.muli %select_n3A_60, %mul3A_168 : i32
        %mul3A_170 = arith.constant 16 : i32
        %mul3A_171 = arith.muli %select_n3A_140, %mul3A_170 : i32
        %add3A_172 = arith.addi %mul3A_169, %mul3A_171 : i32
        %add3A_173 = arith.constant 32 : i32
        %add3A_174 = arith.addi %add3A_161, %add3A_173 : i32
        %dma_start3A = arith.constant 0 : i32
        %dma_start3A_175 = tpu.memref_slice %arg5[%add3A_161, %dma_start3A] : memref<25920x1024xf32, #tpu.memory_space<hbm>> -> memref<16x1024xf32, #tpu.memory_space<hbm>>
        %dma_start3A_176 = arith.constant 0 : i32
        %dma_start3A_177 = tpu.memref_slice %arg6[%mul3A_163, %dma_start3A_176] : memref<48x1024xf32, #tpu.memory_space<vmem_shared>> -> memref<16x1024xf32, #tpu.memory_space<vmem_shared>>
        tpu.enqueue_dma source(%dma_start3A_177 : memref<16x1024xf32, #tpu.memory_space<vmem_shared>>) target(%dma_start3A_175 : memref<16x1024xf32, #tpu.memory_space<hbm>>) target_semaphore(%arg10 : memref<!tpu.dma_semaphore, #tpu.memory_space<semaphore_mem>>)
        %dma_start3A_178 = arith.constant 0 : i32
        %dma_start3A_179 = tpu.memref_slice %arg5[%add3A_167, %dma_start3A_178] : memref<25920x1024xf32, #tpu.memory_space<hbm>> -> memref<16x1024xf32, #tpu.memory_space<hbm>>
        %dma_start3A_180 = arith.constant 0 : i32
        %dma_start3A_181 = tpu.memref_slice %arg8[%mul3A_165, %dma_start3A_180] : memref<48x1024xf32, #tpu.memory_space<vmem_shared>> -> memref<16x1024xf32, #tpu.memory_space<vmem_shared>>
        tpu.enqueue_dma source(%dma_start3A_181 : memref<16x1024xf32, #tpu.memory_space<vmem_shared>>) target(%dma_start3A_179 : memref<16x1024xf32, #tpu.memory_space<hbm>>) target_semaphore(%arg10 : memref<!tpu.dma_semaphore, #tpu.memory_space<semaphore_mem>>)
        %dma_start3A_182 = arith.constant 0 : i32
        %dma_start3A_183 = tpu.memref_slice %arg5[%add3A_174, %dma_start3A_182] : memref<25920x1024xf32, #tpu.memory_space<hbm>> -> memref<16x1024xf32, #tpu.memory_space<hbm>>
        %dma_start3A_184 = arith.constant 0 : i32
        %dma_start3A_185 = tpu.memref_slice %arg7[%add3A_172, %dma_start3A_184] : memref<960x1024xf32, #tpu.memory_space<vmem_shared>> -> memref<16x1024xf32, #tpu.memory_space<vmem_shared>>
        tpu.enqueue_dma source(%dma_start3A_185 : memref<16x1024xf32, #tpu.memory_space<vmem_shared>>) target(%dma_start3A_183 : memref<16x1024xf32, #tpu.memory_space<hbm>>) target_semaphore(%arg10 : memref<!tpu.dma_semaphore, #tpu.memory_space<semaphore_mem>>)
      } else {
      }
      %ge3A = arith.constant 6 : i32
      %ge3A_33 = arith.cmpi sge, %scan3A_28, %ge3A : i32
      %sub3A_34 = arith.constant 6 : i32
      %sub3A_35 = arith.subi %scan3A_28, %sub3A_34 : i32
      %lt3A_36 = arith.cmpi slt, %sub3A_35, %select_n3A : i32
      %and3A = arith.andi %ge3A_33, %lt3A_36 : i1
      %convert_element_type3A_37 = arith.extui %and3A : i1 to i32
      %cond3A_38 = arith.constant 0 : i32
      %cond3A_39 = arith.cmpi ne, %convert_element_type3A_37, %cond3A_38 : i32
      scf.if %cond3A_39 {
        %dma_wait3A = arith.constant 0 : i32
        %dma_wait3A_40 = arith.constant 0 : i32
        %dma_wait3A_41 = tpu.memref_slice %arg5[%dma_wait3A, %dma_wait3A_40] : memref<25920x1024xf32, #tpu.memory_space<hbm>> -> memref<16x1024xf32, #tpu.memory_space<hbm>>
        %dma_wait3A_42 = arith.constant 0 : i32
        %dma_wait3A_43 = arith.constant 0 : i32
        %dma_wait3A_44 = tpu.memref_slice %arg6[%dma_wait3A_42, %dma_wait3A_43] : memref<48x1024xf32, #tpu.memory_space<vmem_shared>> -> memref<16x1024xf32, #tpu.memory_space<vmem_shared>>
        tpu.wait_dma2 semaphore(%arg10 : memref<!tpu.dma_semaphore, #tpu.memory_space<semaphore_mem>>) src(%dma_wait3A_44 : memref<16x1024xf32, #tpu.memory_space<vmem_shared>>) dst(%dma_wait3A_41 : memref<16x1024xf32, #tpu.memory_space<hbm>>)
        %dma_wait3A_45 = arith.constant 0 : i32
        %dma_wait3A_46 = arith.constant 0 : i32
        %dma_wait3A_47 = tpu.memref_slice %arg5[%dma_wait3A_45, %dma_wait3A_46] : memref<25920x1024xf32, #tpu.memory_space<hbm>> -> memref<16x1024xf32, #tpu.memory_space<hbm>>
        %dma_wait3A_48 = arith.constant 0 : i32
        %dma_wait3A_49 = arith.constant 0 : i32
        %dma_wait3A_50 = tpu.memref_slice %arg6[%dma_wait3A_48, %dma_wait3A_49] : memref<48x1024xf32, #tpu.memory_space<vmem_shared>> -> memref<16x1024xf32, #tpu.memory_space<vmem_shared>>
        tpu.wait_dma2 semaphore(%arg10 : memref<!tpu.dma_semaphore, #tpu.memory_space<semaphore_mem>>) src(%dma_wait3A_50 : memref<16x1024xf32, #tpu.memory_space<vmem_shared>>) dst(%dma_wait3A_47 : memref<16x1024xf32, #tpu.memory_space<hbm>>)
        %dma_wait3A_51 = arith.constant 0 : i32
        %dma_wait3A_52 = arith.constant 0 : i32
        %dma_wait3A_53 = tpu.memref_slice %arg5[%dma_wait3A_51, %dma_wait3A_52] : memref<25920x1024xf32, #tpu.memory_space<hbm>> -> memref<16x1024xf32, #tpu.memory_space<hbm>>
        %dma_wait3A_54 = arith.constant 0 : i32
        %dma_wait3A_55 = arith.constant 0 : i32
        %dma_wait3A_56 = tpu.memref_slice %arg6[%dma_wait3A_54, %dma_wait3A_55] : memref<48x1024xf32, #tpu.memory_space<vmem_shared>> -> memref<16x1024xf32, #tpu.memory_space<vmem_shared>>
        tpu.wait_dma2 semaphore(%arg10 : memref<!tpu.dma_semaphore, #tpu.memory_space<semaphore_mem>>) src(%dma_wait3A_56 : memref<16x1024xf32, #tpu.memory_space<vmem_shared>>) dst(%dma_wait3A_53 : memref<16x1024xf32, #tpu.memory_space<hbm>>)
      } else {
      }
    }
    %scan3A_19 = arith.constant 17 : i32
    %sub3A_20 = arith.constant 11 : i32
    %sub3A_21 = arith.subi %select_n3A, %sub3A_20 : i32
    %scan3A_22 = arith.constant 0 : i32
    %scan3A_23 = arith.constant 0 : i32
    %scan3A_24 = arith.constant 6 : i32
    %scan3A_25 = arith.addi %scan3A_23, %scan3A_24 : i32
    %scan3A_26 = arith.constant 1 : i32
    scf.for %scan3A_28 = %scan3A_23 to %scan3A_25 step %scan3A_26  : i32 {
      %lt3A_29 = arith.cmpi slt, %scan3A_28, %sub3A_21 : i32
      %convert_element_type3A_30 = arith.extui %lt3A_29 : i1 to i32
      %cond3A_31 = arith.constant 0 : i32
      %cond3A_32 = arith.cmpi ne, %convert_element_type3A_30, %cond3A_31 : i32
      scf.if %cond3A_32 {
        %dma_wait3A = arith.constant 0 : i32
        %dma_wait3A_33 = arith.constant 0 : i32
        %dma_wait3A_34 = tpu.memref_slice %arg5[%dma_wait3A, %dma_wait3A_33] : memref<25920x1024xf32, #tpu.memory_space<hbm>> -> memref<16x1024xf32, #tpu.memory_space<hbm>>
        %dma_wait3A_35 = arith.constant 0 : i32
        %dma_wait3A_36 = arith.constant 0 : i32
        %dma_wait3A_37 = tpu.memref_slice %arg6[%dma_wait3A_35, %dma_wait3A_36] : memref<48x1024xf32, #tpu.memory_space<vmem_shared>> -> memref<16x1024xf32, #tpu.memory_space<vmem_shared>>
        tpu.wait_dma2 semaphore(%arg10 : memref<!tpu.dma_semaphore, #tpu.memory_space<semaphore_mem>>) src(%dma_wait3A_37 : memref<16x1024xf32, #tpu.memory_space<vmem_shared>>) dst(%dma_wait3A_34 : memref<16x1024xf32, #tpu.memory_space<hbm>>)
        %dma_wait3A_38 = arith.constant 0 : i32
        %dma_wait3A_39 = arith.constant 0 : i32
        %dma_wait3A_40 = tpu.memref_slice %arg5[%dma_wait3A_38, %dma_wait3A_39] : memref<25920x1024xf32, #tpu.memory_space<hbm>> -> memref<16x1024xf32, #tpu.memory_space<hbm>>
        %dma_wait3A_41 = arith.constant 0 : i32
        %dma_wait3A_42 = arith.constant 0 : i32
        %dma_wait3A_43 = tpu.memref_slice %arg6[%dma_wait3A_41, %dma_wait3A_42] : memref<48x1024xf32, #tpu.memory_space<vmem_shared>> -> memref<16x1024xf32, #tpu.memory_space<vmem_shared>>
        tpu.wait_dma2 semaphore(%arg10 : memref<!tpu.dma_semaphore, #tpu.memory_space<semaphore_mem>>) src(%dma_wait3A_43 : memref<16x1024xf32, #tpu.memory_space<vmem_shared>>) dst(%dma_wait3A_40 : memref<16x1024xf32, #tpu.memory_space<hbm>>)
        %dma_wait3A_44 = arith.constant 0 : i32
        %dma_wait3A_45 = arith.constant 0 : i32
        %dma_wait3A_46 = tpu.memref_slice %arg5[%dma_wait3A_44, %dma_wait3A_45] : memref<25920x1024xf32, #tpu.memory_space<hbm>> -> memref<16x1024xf32, #tpu.memory_space<hbm>>
        %dma_wait3A_47 = arith.constant 0 : i32
        %dma_wait3A_48 = arith.constant 0 : i32
        %dma_wait3A_49 = tpu.memref_slice %arg6[%dma_wait3A_47, %dma_wait3A_48] : memref<48x1024xf32, #tpu.memory_space<vmem_shared>> -> memref<16x1024xf32, #tpu.memory_space<vmem_shared>>
        tpu.wait_dma2 semaphore(%arg10 : memref<!tpu.dma_semaphore, #tpu.memory_space<semaphore_mem>>) src(%dma_wait3A_49 : memref<16x1024xf32, #tpu.memory_space<vmem_shared>>) dst(%dma_wait3A_46 : memref<16x1024xf32, #tpu.memory_space<hbm>>)
      } else {
      }
    }
    %scan3A_27 = arith.constant 6 : i32
    return
  }
}

</mosaic_0001>

<sc_bundles>
// kernel: kernel.3.cloned.1.call-start
scs
__scs_entry_jumppad:
0x0: {  	(pc) =	sbr.rel $0x88, $3  }
0x1: {  	(tag) =	ssettag $0x0;
	lr =	simm.s32 $0x1  }
0x2: {  	[smem:$0x3F9E] =	sst lr;
	_ =	strace $0xD0000000  }
0x3: {  	_ = 	snop  }
0x4: {  	_ = 	snop  }
0x5: {  	_ = 	snop  }
0x6: {  	_ = 	snop  }
0x7: {  	_ = 	snop  }
__scs_overlays_trampoline_lowered:
0x8: {  	[smem:$0x3FAD] =	sst s0  }
0x9: {  	[smem:$0x3FAE] =	sst s1  }
0xa: {  	[smem:$0x3FAF] =	sst s2  }
0xb: {  	[smem:$0x3FB0] =	sst s3  }
0xc: {  	[smem:$0x3FB1] =	sst s4  }
0xd: {  	[smem:$0x3FB2] =	sst s5  }
0xe: {  	[smem:$0x3FB3] =	sst s6  }
0xf: {  	[smem:$0x3FB4] =	sst s7  }
0x10: {  	[smem:$0x3FB5] =	sst s8  }
0x11: {  	[smem:$0x3FB6] =	sst s9;
	s0 =	simm.s32 @!p0 $0x0  }
0x12: {  	s1 =	sld [smem:$0x3F9C];
	s0 =	simm.s32 @p0 $0x1  }
0x13: {  	[smem:$0x3FB7] =	sst s0;
	s0 =	simm.s32 @!p1 $0x0  }
0x14: {  	s2 =	sld [smem:$0x3F9B];
	s0 =	simm.s32 @p1 $0x1  }
0x15: {  	[smem:$0x3FB8] =	sst s0;
	s0 =	simm.s32 @!p2 $0x0  }
0x16: {  	s3 =	sld [smem:$0x3FDB];
	s0 =	simm.s32 @p2 $0x1  }
0x17: {  	s4 =	simm.s32 $0x1BF5;
	[smem:$0x3FBA] =	sst s0  }
0x18: {  	s0 =	sld [smem:$0x3F9D];
	_ =	swait.ge [sflag:s4], $0x0  }
0x19: {  	s7 =	sld [smem:$0x3F9E]  }
0x1a: {  	s8 =	sadd.s32 $0xFFFFE003, lr  }
0x1b: {  	s9 =	sadd.s32 $0xFFFFFEF7, lr;
	s5 =	simm.s32 $0xFFFFFFFF;
	p2 =	slt.u32 s8, $0xFFFFF086  }
0x1c: {  	p1 =	slt.u32 s9, $0xF7A;
	s5 =	simm.s32 @!p2 $0x0  }
0x1d: {  	s5 =	simm.s32 @p1 $0x1;
	p0 =	seq.s32 s7, s2  }
0x1e: {  	s7 =	smul.u32 @!p0 $0xF7A, s2;
	p2 =	seq.s32 @!p0 s5, $0x0  }
0x1f: {  	s9 =	smul.u32 $0xF7A, s1;
	s8 =	simm.s32 @!p0 $0x1BF5;
	p2 =	por !p2, p0  }
0x20: {  	[sflag:s8] =	ssyncset.s32 @!p0 $0xFFFFF086;
	s6 =	sadd.s32 @!p0 s3, s7;
	s7 =	simm.s32 @!p0 $0x108  }
0x21: {  	s3 =	sadd.s32 s3, s9;
	s6 =	sadd.s32 @!p0 $0x88, s6;
	s7 =	simm.s32 @p2 $0x1082  }
0x22: {  	[simem:s7], [sflag:s8] =	dma.local @!p0 [hbm:s6], $0xF7A  }
0x23: {  	s9 =	sor.u32 $0xD0000000, s2;
	s6 =	simm.s32 $0x108;
	_ =	swait.ge @!p0 [sflag:s8], $0x0  }
0x24: {  	s3 =	sadd.s32 $0x88, s3;
	s6 =	simm.s32 @!p1 $0x1082;
	[sflag:s4] =	ssyncset.s32 $0xFFFFF086  }
0x25: {  	[simem:s6], [sflag:s4] =	dma.local [hbm:s3], $0xF7A  }
0x26: {  	[smem:$0x3F9E] =	sst s1;
	(tag) =	ssettag s2;
	_ =	strace s9  }
0x27: {  	s1 =	sld [smem:$0x3FAE]  }
0x28: {  	s2 =	sld [smem:$0x3FAF]  }
0x29: {  	s4 =	sld [smem:$0x3FB1]  }
0x2a: {  	p0 =	seq.s32 s5, $0x0;
	s5 =	sld [smem:$0x3FB2]  }
0x2b: {  	s6 =	sld [smem:$0x3FB3]  }
0x2c: {  	s7 =	sld [smem:$0x3FB4]  }
0x2d: {  	s3 =	simm.s32 $0x108;
	s8 =	sld [smem:$0x3FB5]  }
0x2e: {  	s3 =	simm.s32 @!p0 $0x1082;
	s9 =	sld [smem:$0x3FB6]  }
0x2f: {  	lr =	sadd.s32 s0, s3;
	s0 =	sld [smem:$0x3FAD]  }
0x30: {  	s3 =	sld [smem:$0x3FB0]  }
0x31: {  	[smem:$0x3FB9] =	sst s10  }
0x32: {  	s10 =	sld [smem:$0x3FB7];
	_ =	sdelay $0x3  }
0x33: {  	p0 =	seq.s32 s10, $0x1;
	s10 =	sld [smem:$0x3FB9];
	_ =	sdelay $0x3  }
0x34: {  	[smem:$0x3FB9] =	sst s10  }
0x35: {  	s10 =	sld [smem:$0x3FB8];
	_ =	sdelay $0x3  }
0x36: {  	p1 =	seq.s32 s10, $0x1;
	s10 =	sld [smem:$0x3FB9];
	_ =	sdelay $0x3  }
0x37: {  	[smem:$0x3FB9] =	sst s10  }
0x38: {  	s10 =	sld [smem:$0x3FBA]  }
0x39: {  	_ = 	snop;
	(pc) =	sbr.ind lr, $3  }
0x3a: {  	_ = 	snop  }
0x3b: {  	_ = 	snop  }
0x3c: {  	p2 =	seq.s32 s10, $0x1;
	s10 =	sld [smem:$0x3FB9]  }
0x3d: {  	_ =	shalt  }
0x3e: {  	_ =	shalt  }
0x3f: {  	_ =	shalt  }
0x40: {  	_ =	shalt  }
0x41: {  	_ =	shalt  }
0x42: {  	_ =	shalt  }
0x43: {  	_ =	shalt  }
0x44: {  	_ =	shalt  }
0x45: {  	_ =	shalt  }
0x46: {  	_ =	shalt  }
0x47: {  	_ =	shalt  }
0x48: {  	_ =	shalt  }
0x49: {  	_ =	shalt  }
0x4a: {  	_ =	shalt  }
0x4b: {  	_ =	shalt  }
0x4c: {  	_ =	shalt  }
0x4d: {  	_ =	shalt  }
0x4e: {  	_ =	shalt  }
0x4f: {  	_ =	shalt  }
0x50: {  	_ =	shalt  }
0x51: {  	_ =	shalt  }
0x52: {  	_ =	shalt  }
0x53: {  	_ =	shalt  }
0x54: {  	_ =	shalt  }
0x55: {  	_ =	shalt  }
0x56: {  	_ =	shalt  }
0x57: {  	_ =	shalt  }
0x58: {  	_ =	shalt  }
0x59: {  	_ =	shalt  }
0x5a: {  	_ =	shalt  }
0x5b: {  	_ =	shalt  }
0x5c: {  	_ =	shalt  }
0x5d: {  	_ =	shalt  }
0x5e: {  	_ =	shalt  }
0x5f: {  	_ =	shalt  }
0x60: {  	_ =	shalt  }
0x61: {  	_ =	shalt  }
0x62: {  	_ =	shalt  }
0x63: {  	_ =	shalt  }
0x64: {  	_ =	shalt  }
0x65: {  	_ =	shalt  }
0x66: {  	_ =	shalt  }
0x67: {  	_ =	shalt  }
0x68: {  	_ =	shalt  }
0x69: {  	_ =	shalt  }
0x6a: {  	_ =	shalt  }
0x6b: {  	_ =	shalt  }
0x6c: {  	_ =	shalt  }
0x6d: {  	_ =	shalt  }
0x6e: {  	_ =	shalt  }
0x6f: {  	_ =	shalt  }
0x70: {  	_ =	shalt  }
0x71: {  	_ =	shalt  }
0x72: {  	_ =	shalt  }
0x73: {  	_ =	shalt  }
0x74: {  	_ =	shalt  }
0x75: {  	_ =	shalt  }
0x76: {  	_ =	shalt  }
0x77: {  	_ =	shalt  }
0x78: {  	_ =	shalt  }
0x79: {  	_ =	shalt  }
0x7a: {  	_ =	shalt  }
0x7b: {  	_ =	shalt  }
0x7c: {  	_ =	shalt  }
0x7d: {  	_ =	shalt  }
0x7e: {  	_ =	shalt  }
0x7f: {  	_ =	shalt  }
0x80: {  	_ =	shalt  }
0x81: {  	_ =	shalt  }
0x82: {  	_ =	shalt  }
0x83: {  	_ =	shalt  }
0x84: {  	_ =	shalt  }
0x85: {  	_ =	shalt  }
0x86: {  	_ =	shalt  }
0x87: {  	_ =	shalt  }
.Lfunc_end0:
.L_simem_size_0:
called_computation_lowered:
.L_overlay_start_0:
0x88: {  	s2 =	sld [smem:$0x3FD9]  }
0x89: {  	s3 =	sld [smem:$0x3FFE];
	_ =	sdelay $0x1  }
0x8a: {  	s1 =	srdreg.scid  }
0x8b: {  	s0 =	sand.u32 $0x1, s1  }
0x8c: {  	s18 =	sshll.u32 s0, $0xA;
	s2 =	sadd.s32 s3, s2  }
0x8d: {  	s2 =	sadd.s32 s2, s18  }
0x8e: {  	[smem:$0x3FC5] =	sst s2  }
0x8f: {  	_ = 	snop  }
0x90: {  	s2 =	sld [smem:$0x3FC9]  }
0x91: {  	s19 =	sld [smem:$0x3FC8]  }
0x92: {  	s4 =	sld [smem:$0x3FC7]  }
0x93: {  	s5 =	sld [smem:$0x3FD0];
	(tm) =	ssettm $0x1  }
0x94: {  	s6 =	sld [smem:$0x3FFB];
	_ =	sdelay $0x3  }
0x95: {  	_ =	strace s6  }
0x96: {  	s6 =	sld [smem:$0x3FFC];
	_ =	sdelay $0x3  }
0x97: {  	_ =	strace s6  }
0x98: {  	s6 =	sld [smem:$0x3FFD];
	_ =	sdelay $0x3  }
0x99: {  	_ =	strace s6  }
0x9a: {  	_ =	strace $0x8FFFFFFF  }
0x9b: {  	s20 =	sld [smem:$0x3FDB];
	_ =	sdelay $0x1  }
0x9c: {  	s7 =	simm.s32 $_scs_section_size  }
0x9d: {  	s8 =	simm.s32 $_size__tile_overlayer_lowered;
	s9 =	simm.s32 $_tile_overlayer_lowered  }
0x9e: {  	s23 =	simm.s32 $0x1BFF;
	s22 =	sshll.u32 s9, $0x1;
	s6 =	sadd.s32 s7, s20  }
0x9f: {  	s10 =	simm.s32 $0x0;
	s21 =	sshll.u32 s8, $0x1;
	s8 =	sadd.s32 s22, s6  }
0xa0: {  	[timem:s10], [sflag:s23] =	dma.local [hbm:s8], s21  }
0xa1: {  	_ =	swait.ge [sflag:s23], s21  }
0xa2: {  	s7 =	ssub.s32 $0x0, s21;
	[sflag:s23] =	ssyncset.done $0x0  }
0xa3: {  	[sflag:s23] =	ssyncadd.s32 s7;
	_ =	sdelay $0x1  }
0xa4: {  	s24 =	simm.s32 $0x1B8B  }
0xa5: {  	_ =	swait.ge [sflag:s24], $0x1  }
0xa6: {  	[sflag:s24] =	ssyncset.done $0x0  }
0xa7: {  	s25 =	simm.s32 $0x1B8E;
	[sflag:s24] =	ssyncadd.s32 $0xFFFFFFFF  }
0xa8: {  	s26 =	simm.s32 $execute0_lowered;
	[smem:$0x3FD2] =	sst s25  }
0xa9: {  	s7 =	sshll.u32 s26, $0x1;
	_ =	strace $0x80000046;
	[dreg:$0x1] =	wrdreg $0xFFFFFFFF  }
0xaa: {  	s28 =	simm.s32 $_size_execute0_lowered;
	s6 =	sadd.s32 s6, s7;
	[dreg:$0x0] =	wrdreg $0x0  }
0xab: {  	s7 =	sshll.u32 s28, $0x1;
	[dreg:$0x2] =	wrdreg s6  }
0xac: {  	[dreg:$0x3] =	wrdreg s7  }
0xad: {  	[dreg:$0x4] =	wrdreg $0xC0  }
0xae: {  	_ =	task [dreg:s10], $0x5FFFF  }
0xaf: {  	[dreg:$0x1] =	wrdreg $0xFFFFFFFF  }
0xb0: {  	[dreg:$0x0] =	wrdreg $0x60  }
0xb1: {  	[dreg:$0x2] =	wrdreg s2  }
0xb2: {  	[dreg:$0x3] =	wrdreg s19  }
0xb3: {  	[dreg:$0x4] =	wrdreg s4  }
0xb4: {  	[dreg:$0x5] =	wrdreg s5  }
0xb5: {  	[dreg:$0x6] =	wrdreg $0xC000  }
0xb6: {  	[dreg:$0x7] =	wrdreg $0x0  }
0xb7: {  	[dreg:$0x8] =	wrdreg $0xFC000  }
0xb8: {  	[dreg:$0x9] =	wrdreg $0x9  }
0xb9: {  	_ =	task.clear_ibuf [dreg:s10], $0xAFFFF;
	_ =	strace $0x90000046  }
0xba: {  	s29 =	simm.s32 $0x9;
	_ =	strace $0x80000048  }
0xbb: {  	_ =	swait.ge [sflag:s29], $0x1  }
0xbc: {  	[sflag:s29] =	ssyncadd.s32 $0xFFFFFFFF  }
0xbd: {  	_ =	strace $0x90000048  }
0xbe: {  	_ =	sfence  }
0xbf: {  	s30 =	sld [smem:$0x0];
	_ =	sdelay $0x2  }
0xc0: {  	s31 =	sshll.u32 s1, $0xD;
	s1 =	sshrl.u32 s1, $0x2  }
0xc1: {  	s3 =	sand.u32 $0x4000, s31;
	s1 =	sadd.s32 s1, s30  }
0xc2: {  	s0 =	sor.u32 s3, s0;
	s1 =	sshll.u32 s1, $0x11  }
0xc3: {  	s0 =	sor.u32 s1, s0  }
0xc4: {  	s0 =	sadd.s32 $0x8F2B, s0  }
0xc5: {  	[sflag:s0] =	ssyncadd.remote.s32 $0x1  }
0xc6: {  	_ =	sfence.sel $0xFFFF  }
0xc7: {  	[dreg:$0x0] =	wrdreg $0xFFFFFFFF;
	(pc) =	sbr.abs _section_cstart, $3  }
0xc8: {  	[dreg:$0x1] =	wrdreg $0xFFFFFFFF  }
0xc9: {  	_ =	task.clear_ibuf [dreg:s10], $0x2FFFF;
	_ =	strace $0x9FFFFFFF  }
0xca: {  	(tm) =	ssettm $0x7FFFFFFF  }
0xcb: {  	_ =	shalt  }
tec
execute0_lowered:
.L_overlay_start_1:
0x0: {  	(tag) =	ssettag $0x1  }
0x1: {  	s0 =	rddreg [dreg:$0x0]  }
0x2: {  	s9 =	rddreg [dreg:$0x1]  }
0x3: {  	s2 =	rddreg [dreg:$0x2]  }
0x4: {  	s3 =	rddreg [dreg:$0x3]  }
0x5: {  	s4 =	rddreg [dreg:$0x4]  }
0x6: {  	s5 =	rddreg [dreg:$0x5]  }
0x7: {  	s6 =	rddreg [dreg:$0x6];
	s8 =	srdreg.scid  }
0x8: {  	s1 =	rddreg [dreg:$0x7];
	s7 =	simm.s32 $0x0;
	s10 =	sand.u32 $0x1, s8  }
0x9: {  	[smem:$0x7FF] =	sst s7;
	s8 =	stileid.u32;
	s11 =	ssub.s32 $0x2, s10  }
0xa: {  	_ =	strace $0x80000047;
	s28 =	sshll.u32 s10, $0x4;
	s13 =	smul.u32 $0x110, s10  }
0xb: {  	s29 =	sshll.u32 s8, $0xD;
	s30 =	smul.u32 $0x11, s8;
	s14 =	sshll.u32 s8, $0x10  }
0xc: {  	s10 =	simm.s32 $0x11;
	s17 =	sshll.u32 s8, $0x6;
	s12 =	sshrl.u32 s11, $0x1  }
0xd: {  	s18 =	sor.u32 s8, s28;
	s9 =	sadd.s32 s9, s29;
	s16 =	sadd.s32 s14, s4  }
0xe: {  	s17 =	sor.u32 $0x1C02, s17;
	s11 =	ssub.s32 s11, s12;
	p0 =	slt.u32 s18, $0x1C  }
.Ltmp0:
0xf: {  	s12 =	sadd.s32 s30, s13;
	s31 =	smax.u32 s18, $0x1C;
	(pc) =	sbr.rel .LBB2_1-.Ltmp0, $4  }
0x10: {  	p1 =	sgt.u32 s18, $0x1B;
	s18 =	simm.s32 $0x2;
	s10 =	simm.s32 @!p0 $0x10  }
0x11: {  	s12 =	ssub.s32 s12, s31;
	s11 =	smax.u32 s11, $0x1;
	p0 =	seq.s32 s8, $0xF  }
0x12: {  	s12 =	sadd.s32 $0x1C, s12;
	s13 =	sshrl.u32 @p0 s5, $0x3;
	s15 =	sshll.u32 @!p0 s8, $0x6  }
0x13: {  	s14 =	sshrl.u32 @p0 s6, $0x3;
	s16 =	sshrl.u32 @!p0 s16, $0x3;
	s15 =	sor.u32 @!p0 $0x1C01, s15  }
.LBB2_5:
0x14: {  	_ =	swait.ge [sflag:s18], $0x800  }
0x15: {  	[sflag:s18] =	ssyncset.done $0x0  }
0x16: {  	[sflag:s18] =	ssyncadd.s32 $0xFFFFF800  }
0x17: {  	_ =	swait.ge [sflag:s18], $0x800  }
0x18: {  	[sflag:s18] =	ssyncset.done $0x0  }
0x19: {  	[sflag:s18] =	ssyncadd.s32 $0xFFFFF800  }
0x1a: {  	_ =	swait.ge [sflag:s18], $0x800  }
0x1b: {  	[sflag:s18] =	ssyncset.done $0x0  }
0x1c: {  	[sflag:s18] =	ssyncadd.s32 $0xFFFFF800  }
0x1d: {  	_ =	swait.ge [sflag:s18], $0x800  }
0x1e: {  	[sflag:s18] =	ssyncset.done $0x0  }
0x1f: {  	[sflag:s18] =	ssyncadd.s32 $0xFFFFF800  }
0x20: {  	_ =	swait.ge [sflag:s18], $0x800  }
0x21: {  	[sflag:s18] =	ssyncset.done $0x0  }
0x22: {  	[sflag:s18] =	ssyncadd.s32 $0xFFFFF800  }
0x23: {  	_ =	swait.ge [sflag:s18], $0x800  }
0x24: {  	[sflag:s18] =	ssyncset.done $0x0  }
0x25: {  	[sflag:s18] =	ssyncadd.s32 $0xFFFFF800  }
0x26: {  	_ =	swait.ge [sflag:s18], $0x800  }
0x27: {  	[sflag:s18] =	ssyncset.done $0x0  }
0x28: {  	[sflag:s18] =	ssyncadd.s32 $0xFFFFF800  }
0x29: {  	_ =	swait.ge [sflag:s18], $0x800  }
0x2a: {  	[sflag:s18] =	ssyncset.done $0x0  }
0x2b: {  	[sflag:s18] =	ssyncadd.s32 $0xFFFFF800  }
0x2c: {  	_ =	swait.ge [sflag:s18], $0x800  }
0x2d: {  	[sflag:s18] =	ssyncset.done $0x0  }
0x2e: {  	[sflag:s18] =	ssyncadd.s32 $0xFFFFF800  }
0x2f: {  	_ =	swait.ge [sflag:s18], $0x800  }
0x30: {  	[sflag:s18] =	ssyncset.done $0x0  }
0x31: {  	[sflag:s18] =	ssyncadd.s32 $0xFFFFF800  }
0x32: {  	_ =	swait.ge [sflag:s18], $0x800  }
0x33: {  	[sflag:s18] =	ssyncset.done $0x0  }
0x34: {  	[sflag:s18] =	ssyncadd.s32 $0xFFFFF800  }
0x35: {  	_ =	swait.ge [sflag:s18], $0x800  }
0x36: {  	[sflag:s18] =	ssyncset.done $0x0  }
0x37: {  	[sflag:s18] =	ssyncadd.s32 $0xFFFFF800  }
0x38: {  	_ =	swait.ge [sflag:s18], $0x800  }
0x39: {  	[sflag:s18] =	ssyncset.done $0x0  }
0x3a: {  	[sflag:s18] =	ssyncadd.s32 $0xFFFFF800  }
0x3b: {  	_ =	swait.ge [sflag:s18], $0x800  }
0x3c: {  	[sflag:s18] =	ssyncset.done $0x0  }
0x3d: {  	[sflag:s18] =	ssyncadd.s32 $0xFFFFF800  }
0x3e: {  	_ =	swait.ge [sflag:s18], $0x800  }
0x3f: {  	[sflag:s18] =	ssyncset.done $0x0  }
0x40: {  	s19 =	simm.s32 @!p1 $0x2;
	[sflag:s18] =	ssyncadd.s32 $0xFFFFF800  }
0x41: {  	_ =	swait.ge @!p1 [sflag:s19], $0x800  }
0x42: {  	[sflag:s19] =	ssyncset.done @!p1 $0x0  }
0x43: {  	s7 =	sadd.s32 $0x1, s7;
	[sflag:s19] =	ssyncadd.s32 @!p1 $0xFFFFF800  }
0x44: {  	p2 =	sne.s32 s7, s11;
	_ =	swait.ge @!p1 [sflag:s19], $0x800  }
.Ltmp1:
0x45: {  	[sflag:s19] =	ssyncset.done @!p1 $0x0;
	(pc) =	sbr.rel @!p2 .LBB2_6-.Ltmp1, $4  }
0x46: {  	[sflag:s19] =	ssyncadd.s32 @!p1 $0xFFFFF800  }
0x47: {  	_ =	swait.ge @!p1 [sflag:s19], $0x800  }
0x48: {  	[sflag:s19] =	ssyncset.done @!p1 $0x0  }
0x49: {  	[sflag:s19] =	ssyncadd.s32 @!p1 $0xFFFFF800  }
.LBB2_1:
0x4a: {  	s19 =	simm.s32 @p0 $0x1FC1  }
0x4b: {  	[spmem:s13], [sflag:s19] =	dma.local @p0 [hbm:s0], $0x1800  }
0x4c: {  	[spmem:s14], [sflag:s19] =	dma.local @p0 [hbm:s2], $0x1800  }
0x4d: {  	s19 =	simm.s32 @p0 $0x1  }
0x4e: {  	_ =	swait.ge @p0 [sflag:s19], $0x1800  }
0x4f: {  	[sflag:s19] =	ssyncset.done @p0 $0x0  }
0x50: {  	[sflag:s19] =	ssyncadd.s32 @p0 $0xFFFFE800  }
0x51: {  	_ =	swait.ge @p0 [sflag:s19], $0x1800  }
0x52: {  	[sflag:s19] =	ssyncset.done @p0 $0x0  }
0x53: {  	[sflag:s19] =	ssyncadd.s32 @p0 $0xFFFFE800;
	s19 =	simm.s32 @!p0 $0x1  }
0x54: {  	[spmem:s16], [sflag:s15] =	dma.local @!p0 [hbm:s9], $0x2000  }
.Ltmp2:
0x55: {  	_ =	swait.ge @!p0 [sflag:s19], $0x2000;
	(pc) =	sbr.rel .LBB2_2-.Ltmp2, $4  }
0x56: {  	[sflag:s19] =	ssyncset.done @!p0 $0x0  }
0x57: {  	[sflag:s19] =	ssyncadd.s32 @!p0 $0xFFFFE000  }
0x58: {  	[bflag:$0x0] =	sbarrier.arrive $0xFFFF  }
0x59: {  	s19 =	simm.s32 $0x0  }
.LBB2_4:
0x5a: {  	p2 =	slt.u32 s19, $0x6  }
0x5b: {  	s20 =	simm.s32 @!p2 $0x2  }
0x5c: {  	_ =	swait.ge @!p2 [sflag:s20], $0x800  }
0x5d: {  	[sflag:s20] =	ssyncset.done @!p2 $0x0  }
0x5e: {  	s19 =	sadd.s32 $0x1, s19;
	[sflag:s20] =	ssyncadd.s32 @!p2 $0xFFFFF800  }
0x5f: {  	p3 =	sne.s32 s19, $0x11;
	_ =	swait.ge @!p2 [sflag:s20], $0x800  }
.Ltmp3:
0x60: {  	[sflag:s20] =	ssyncset.done @!p2 $0x0;
	(pc) =	sbr.rel @!p3 .LBB2_5-.Ltmp3, $4  }
0x61: {  	[sflag:s20] =	ssyncadd.s32 @!p2 $0xFFFFF800  }
0x62: {  	_ =	swait.ge @!p2 [sflag:s20], $0x800  }
0x63: {  	[sflag:s20] =	ssyncset.done @!p2 $0x0  }
0x64: {  	[sflag:s20] =	ssyncadd.s32 @!p2 $0xFFFFF800  }
.LBB2_2:
0x65: {  	p2 =	sge.u32 s19, s10  }
.Ltmp4:
0x66: {  	_ = 	snop;
	(pc) =	sbr.rel @p2 .LBB2_4-.Ltmp4, $1  }
0x67: {  	_ =	sdelay $0x3  }
0x68: {  	s20 =	sadd.s32 s19, s12  }
0x69: {  	s21 =	smulhi.u32 $0x4BDA12F7, s20;
	s22 =	sshra.s32 s20, $0x1F  }
0x6a: {  	s22 =	smul.u32 $0x4BDA12F7, s22;
	_ =	sdelay $0x1  }
0x6b: {  	s21 =	sadd.s32 s22, s21  }
0x6c: {  	s22 =	sshrl.u32 s21, $0x1F;
	s21 =	sshra.s32 s21, $0x3  }
0x6d: {  	s21 =	sadd.s32 s22, s21  }
0x6e: {  	s22 =	smul.u32 $0xFFFFFFE5, s21;
	_ =	sdelay $0x1  }
0x6f: {  	s22 =	sadd.s32 s20, s22  }
0x70: {  	p3 =	slt.s32 s22, $0x0;
	s23 =	sadd.s32 $0x1B, s22  }
0x71: {  	p2 =	sne.s32 s22, $0x0;
	s22 =	smov.u32 @p3 s23  }
0x72: {  	s23 =	sshll.u32 s22, $0x18  }
0x73: {  	s23 =	sshra.s32 s23, $0x18  }
0x74: {  	s24 =	smul.u32 $0x39, s23;
	_ =	sdelay $0x1  }
0x75: {  	s25 =	sshrl.u32 s24, $0x1F;
	s24 =	sshra.s32 s24, $0x9  }
0x76: {  	p6 =	slt.s32 s20, $0x1;
	s24 =	sadd.s32 s25, s24  }
0x77: {  	p2 =	por !p6, !p2;
	s30 =	smul.u32 $0xFFFFFFF7, s24  }
0x78: {  	p2 =	por !p2, !p2;
	p3 =	slt.s32 s22, $0x1;
	s25 =	simm.s32 $0x1  }
0x79: {  	s29 =	smul.u32 $0x30, s22;
	s25 =	simm.s32 @!p2 $0x0;
	s20 =	sadd.s32 s22, s30  }
0x7a: {  	s23 =	smul.u32 $0x56, s23;
	s21 =	ssub.s32 s21, s25;
	s26 =	sand.u32 $0xFF, s20  }
0x7b: {  	s25 =	simm.s32 $0x1;
	s20 =	sshll.u32 s20, $0x18;
	p4 =	sne.s32 s26, $0x0  }
0x7c: {  	s31 =	smul.u32 $0x510, s21;
	s20 =	sshra.s32 s20, $0x18;
	p2 =	por !p3, !p4  }
0x7d: {  	p3 =	slt.s32 s20, $0x0;
	s28 =	sadd.s32 $0x9, s20;
	p2 =	por !p2, !p2  }
0x7e: {  	s24 =	sand.u32 $0xFF, s24;
	s20 =	smov.u32 @p3 s28;
	s25 =	simm.s32 @!p2 $0x0  }
0x7f: {  	s28 =	sshll.u32 s20, $0x18;
	s24 =	ssub.s32 s24, s25;
	s25 =	sadd.s32 s29, s31  }
0x80: {  	s30 =	sshra.s32 s28, $0x18;
	s29 =	sshrl.u32 s23, $0x1F;
	s24 =	sshll.u32 s24, $0x10  }
0x81: {  	s23 =	sshrl.u32 s23, $0x8;
	s31 =	sshll.u32 s25, $0x7;
	s24 =	sshra.s32 s24, $0x2  }
0x82: {  	s26 =	smul.u32 $0x56, s30;
	s23 =	sadd.s32 s29, s23;
	s24 =	sadd.s32 s24, s5  }
0x83: {  	s28 =	sadd.s32 s3, s31;
	s23 =	smul.u32 $0x3, s23;
	s24 =	sshrl.u32 s24, $0x3  }
0x84: {  	[hbm:s28], [sflag:s17] =	dma.local [spmem:s24], $0x800  }
0x85: {  	s28 =	sshrl.u32 s26, $0x1F;
	s26 =	sshrl.u32 s26, $0x8  }
0x86: {  	p5 =	slt.s32 s20, $0x1;
	s22 =	ssub.s32 s22, s23;
	s24 =	sadd.s32 s28, s26  }
0x87: {  	s31 =	ssub.s32 $0x0, s20;
	s23 =	sshll.u32 s22, $0x18;
	s30 =	smul.u32 $0xFFFFFFFD, s24  }
0x88: {  	s26 =	sand.u32 $0xFF, s31;
	s20 =	sshra.s32 s23, $0x18;
	s24 =	sshll.u32 s24, $0x18  }
0x89: {  	s23 =	sshll.u32 s20, $0xE;
	p3 =	slt.s32 s20, $0x0;
	s28 =	sand.u32 $0xFF, s30  }
0x8a: {  	s22 =	sshra.s32 s24, $0x18;
	s20 =	sadd.s32 $0xC000, s23;
	p6 =	sne.s32 s28, s26  }
0x8b: {  	s23 =	smov.u32 @p3 s20;
	s26 =	sshll.u32 s25, $0xA;
	p2 =	por !p5, !p6  }
0x8c: {  	s25 =	simm.s32 $0x1;
	s28 =	sadd.s32 $0x4000, s26;
	p2 =	por !p2, !p2  }
0x8d: {  	s23 =	sadd.s32 s23, s6;
	s20 =	sshrl.u32 s28, $0x3;
	s25 =	simm.s32 @!p2 $0x0  }
0x8e: {  	s23 =	sshrl.u32 s23, $0x3;
	s20 =	sadd.s32 s3, s20;
	s22 =	ssub.s32 s22, s25  }
0x8f: {  	[hbm:s20], [sflag:s17] =	dma.local [spmem:s23], $0x800  }
0x90: {  	s21 =	smul.u32 $0x30000, s21;
	s29 =	sshll.u32 s22, $0x10  }
.Ltmp5:
0x91: {  	s20 =	sshra.s32 s29, $0x2;
	(pc) =	sbr.rel .LBB2_4-.Ltmp5, $4  }
0x92: {  	s21 =	sshra.s32 s21, $0x2;
	s30 =	sadd.s32 $0x8000, s26;
	s20 =	sadd.s32 s20, s4  }
0x93: {  	s31 =	sshrl.u32 s30, $0x3;
	s20 =	sadd.s32 s21, s20  }
0x94: {  	s21 =	sadd.s32 s3, s31;
	s20 =	sshrl.u32 s20, $0x3  }
0x95: {  	[hbm:s21], [sflag:s17] =	dma.local [spmem:s20], $0x800  }
.LBB2_6:
0x96: {  	_ =	sfence.sel $0x180000  }
0x97: {  	[bflag:$0x0] =	sbarrier.arrive $0xFFFF  }
0x98: {  	p0 =	sne.s32 s8, $0x0;
	_ =	strace $0x90000047  }
0x99: {  	s0 =	sadd.s32 @!p0 $0x100000, s1;
	[bflag:$0x2] =	sbarrier.arrive $0xFFFF  }
0x9a: {  	[sflag:s0] =	ssyncadd.tile.s32 @!p0 $0x1;
	_ =	shalt  }
.Lfunc_end2:
_tile_overlayer_lowered:
.L_overlay_start_2:
0x9b: {  	(tag) =	ssettag $0x2  }
0x9c: {  	s0 =	rddreg [dreg:$0x0];
	s2 =	stileid.u32  }
0x9d: {  	s1 =	rddreg [dreg:$0x1];
	p0 =	sne.s32 s2, $0x0  }
0x9e: {  	s3 =	rddreg [dreg:$0x2];
	[bflag:$0x3] =	sbarrier.arrive $0xFFFF;
	s2 =	simm.s32 @!p0 $0x1C03  }
0x9f: {  	[timem:s3], [sflag:s2] =	dma.local @!p0 [hbm:s0], s1  }
0xa0: {  	s0 =	simm.s32 @!p0 $0x3  }
0xa1: {  	_ =	swait.ge @!p0 [sflag:s0], s1  }
0xa2: {  	s1 =	ssub.s32 @!p0 $0x0, s1;
	[sflag:s0] =	ssyncset.done @!p0 $0x0  }
0xa3: {  	[sflag:s0] =	ssyncadd.s32 @!p0 s1  }
0xa4: {  	[bflag:$0x3] =	sbarrier.arrive $0xFFFF  }
0xa5: {  	_ =	shalt  }

</sc_bundles>
